<compile_context>
chip_gen: v7x
topology: tpu7x:2x2x1
jax: 0.10.2.dev20260603
libtpu: 0.0.44.dev20260713+nightly
codegen_flags: <defaults>
</compile_context>

<pallas_src>
import functools

import jax
import jax.numpy as jnp
from jax import lax
from jax.experimental import pallas as pl
from jax.experimental.pallas import tpu as pltpu
from jax.experimental.pallas import tpu_sc as plsc

B, T, D = 16, 2048, 512
G, V = 2, 1024
DG = D // G
N = B * T
BT = 256

_NC, _NS = 2, 16
_NW = _NC * _NS
_ROWS = N * G
_ROWS_PER_W = _ROWS // _NW
_CHUNK = 128
_NCHUNK = _ROWS_PER_W // _CHUNK


def _argmax_kernel(x_ref, w_ref, b_ref, idx_ref, probs_ref):
    i = pl.program_id(0)

    @pl.when(i == 0)
    def _init():
        probs_ref[...] = jnp.zeros_like(probs_ref)

    logits = jnp.dot(x_ref[...], w_ref[...], preferred_element_type=jnp.float32)
    logits = logits + b_ref[...]
    iota_v = lax.broadcasted_iota(jnp.int32, (BT, V), 1)
    cols = []
    for g in range(G):
        lg = logits[:, g * V:(g + 1) * V]
        m = jnp.max(lg, axis=1, keepdims=True)
        idx = jnp.min(jnp.where(lg == m, iota_v, V), axis=1)
        oh = (iota_v == idx[:, None]).astype(jnp.float32)
        probs_ref[g, :] += jnp.sum(oh, axis=0)
        cols.append((idx + g * V)[:, None])
    idx_ref[...] = jnp.concatenate(cols, axis=1)

    @pl.when(i == (N // BT) - 1)
    def _finish():
        probs_ref[...] = probs_ref[...] * (1.0 / N)


def _sc_gather(cb_hbm, idx_hbm, out_hbm, idx_v, rows_v, sem):
    wid = lax.axis_index("s") * _NC + lax.axis_index("c")
    base = wid * _ROWS_PER_W

    def body(c, carry):
        off = base + c * _CHUNK
        pltpu.sync_copy(idx_hbm.at[pl.ds(off, _CHUNK)], idx_v)
        pltpu.async_copy(cb_hbm.at[idx_v], rows_v, sem).wait()
        pltpu.sync_copy(rows_v, out_hbm.at[pl.ds(off, _CHUNK)])
        return carry

    lax.fori_loop(0, _NCHUNK, body, 0)


_gather_call = functools.partial(
    pl.kernel,
    out_type=jax.ShapeDtypeStruct((_ROWS, DG), jnp.float32),
    mesh=plsc.VectorSubcoreMesh(core_axis_name="c", subcore_axis_name="s"),
    scratch_types=[
        pltpu.VMEM((_CHUNK,), jnp.int32),
        pltpu.VMEM((_CHUNK, DG), jnp.float32),
        pltpu.SemaphoreType.DMA,
    ],
)(_sc_gather)


def kernel(x, W, b, codebook):
    x2 = x.reshape(N, D)
    b2 = b.reshape(1, G * V)
    cb = codebook.reshape(G * V, DG)
    idx, probs = pl.pallas_call(
        _argmax_kernel,
        grid=(N // BT,),
        in_specs=[
            pl.BlockSpec((BT, D), lambda i: (i, 0)),
            pl.BlockSpec((D, G * V), lambda i: (0, 0)),
            pl.BlockSpec((1, G * V), lambda i: (0, 0)),
        ],
        out_specs=[
            pl.BlockSpec((BT, G), lambda i: (i, 0)),
            pl.BlockSpec((G, V), lambda i: (0, 0)),
        ],
        out_shape=[
            jax.ShapeDtypeStruct((N, G), jnp.int32),
            jax.ShapeDtypeStruct((G, V), jnp.float32),
        ],
    )(x2, W, b2)
    rows = _gather_call(cb, idx.reshape(_ROWS))
    return rows.reshape(B, T, D), probs

# --- scband reference (transcript-rebuilt; emitter-appended) ---
"""Pipeline reference for scband-gumbel-vector-quantizer-23759759081826 (READ-ONLY COPY).

The authoritative reference and input builder live on the scoring server;
editing this copy changes nothing except your own understanding.
"""

import jax, jax.numpy as jnp
import numpy as np

B, T, D = 16, 2048, 512
G, V = 2, 1024
DG = D // G

def setup_inputs(seed: int = 0) -> dict:
    key = jax.random.key(seed)
    k1, k2, k3, k4 = jax.random.split(key, 4)
    x = jax.random.normal(k1, (B, T, D), dtype=jnp.float32)
    W = jax.random.normal(k2, (D, G * V), dtype=jnp.float32) * 0.02
    b = jnp.zeros((G * V,), dtype=jnp.float32)
    codebook = jax.random.uniform(k3, (1, G * V, DG), dtype=jnp.float32)
    return {"x": x, "W": W, "b": b, "codebook": codebook}

def reference(x, W, b, codebook):
    batch, t, d = x.shape
    # weight_proj: Linear(input_dim -> num_groups*num_vars)
    logits = x.reshape(batch * t, d) @ W + b
    logits = logits.reshape(batch * t, G, V)
    # eval-mode path: hard argmax one-hot selection (deterministic)
    indices = jnp.argmax(logits, axis=-1)
    soft_one_hot = jax.nn.one_hot(indices, V, dtype=jnp.float32)
    avg_probs = jnp.mean(soft_one_hot, axis=0)  # (G, V)
    cb = codebook.reshape(G, V, DG)
    selected = jnp.einsum('bgv,gvd->bgd', soft_one_hot, cb)
    quantized = selected.reshape(batch * t, d).reshape(batch, t, d)
    return quantized, avg_probs

if __name__ == "__main__":
    import jax
    _d = setup_inputs()
    print(jax.jit(kernel)(*tuple(_d.values())))

</pallas_src>

<mosaic_0001>
#map = affine_map<(d0, d1) -> (0, 0)>
#map1 = affine_map<(d0, d1) -> (0)>
module attributes {stable_mosaic.version = 14 : i64} {
  func.func @_sc_gather(%arg0: i32, %arg1: i32, %arg2: memref<2048x256xf32, #tpu.memory_space<hbm>>, %arg3: memref<65536xi32, #tpu.memory_space<hbm>>, %arg4: memref<65536x256xf32, #tpu.memory_space<hbm>>, %arg5: memref<128xi32, #tpu.memory_space<vmem>>, %arg6: memref<128x256xf32, #tpu.memory_space<vmem>>, %arg7: memref<!tpu.dma_semaphore, #tpu.memory_space<semaphore_mem>>) attributes {dimension_semantics = [#tpu.dimension_semantics<core_parallel>, #tpu.dimension_semantics<subcore_parallel>], iteration_bounds = array<i64: 2, 16>, scalar_prefetch = 0 : i64, scratch_operands = 3 : i64, tpu.core_type = #tpu.core_type<sc_vector_subcore>, window_params = [{transform_indices = #map}, {transform_indices = #map1}, {transform_indices = #map}]} {
    %mul3A = arith.constant 2 : i32
    %mul3A_0 = arith.muli %arg1, %mul3A : i32
    %add3A = arith.addi %mul3A_0, %arg0 : i32
    %mul3A_1 = arith.constant 2048 : i32
    %mul3A_2 = arith.muli %add3A, %mul3A_1 : i32
    %scan3A = arith.constant 0 : i32
    %scan3A_3 = arith.constant 0 : i32
    %scan3A_4 = arith.constant 16 : i32
    %scan3A_5 = arith.addi %scan3A_3, %scan3A_4 : i32
    %scan3A_6 = arith.constant 1 : i32
    scf.for %scan3A_8 = %scan3A_3 to %scan3A_5 step %scan3A_6  : i32 {
      %mul3A_9 = arith.constant 128 : i32
      %mul3A_10 = arith.muli %scan3A_8, %mul3A_9 : i32
      %add3A_11 = arith.addi %mul3A_2, %mul3A_10 : i32
      "tpu.region"() ({
        %run_scoped3A = tpu.sem_alloc : memref<!tpu.dma_semaphore, #tpu.memory_space<semaphore_mem>>
        %dma_start3A_16 = tpu.memref_slice %arg3[%add3A_11] : memref<65536xi32, #tpu.memory_space<hbm>> -> memref<128xi32, #tpu.memory_space<hbm>>
        %dma_start3A_17 = tpu.memref_slice %arg3[%add3A_11] : memref<65536xi32, #tpu.memory_space<hbm>> -> memref<128xi32, #tpu.memory_space<hbm>>
        tpu.enqueue_dma source(%dma_start3A_17 : memref<128xi32, #tpu.memory_space<hbm>>) target(%arg5 : memref<128xi32, #tpu.memory_space<vmem>>) target_semaphore(%run_scoped3A : memref<!tpu.dma_semaphore, #tpu.memory_space<semaphore_mem>>)
        %dma_wait3A_18 = tpu.memref_slice %arg3[%add3A_11] : memref<65536xi32, #tpu.memory_space<hbm>> -> memref<128xi32, #tpu.memory_space<hbm>>
        %dma_wait3A_19 = tpu.memref_slice %arg3[%add3A_11] : memref<65536xi32, #tpu.memory_space<hbm>> -> memref<128xi32, #tpu.memory_space<hbm>>
        tpu.wait_dma2 semaphore(%run_scoped3A : memref<!tpu.dma_semaphore, #tpu.memory_space<semaphore_mem>>) src(%dma_wait3A_19 : memref<128xi32, #tpu.memory_space<hbm>>) dst(%arg5 : memref<128xi32, #tpu.memory_space<vmem>>)
        tpu.yield
      }) : () -> ()
      %dma_start3A = arith.constant 0 : i32
      %dma_start3A_12 = arith.constant 0 : i32
      %dma_start3A_13 = tpu.memref_slice %arg2[%dma_start3A, %dma_start3A_12] : memref<2048x256xf32, #tpu.memory_space<hbm>> -> memref<2048x256xf32, #tpu.memory_space<hbm>>
      tpu.enqueue_indirect_dma source(%dma_start3A_13 : memref<2048x256xf32, #tpu.memory_space<hbm>>) target(%arg6 : memref<128x256xf32, #tpu.memory_space<vmem>>) offsets(%arg5 : memref<128xi32, #tpu.memory_space<vmem>>) semaphore(%arg7 : memref<!tpu.dma_semaphore, #tpu.memory_space<semaphore_mem>>)
      %dma_wait3A = arith.constant 0 : i32
      %dma_wait3A_14 = arith.constant 0 : i32
      %dma_wait3A_15 = tpu.memref_slice %arg2[%dma_wait3A, %dma_wait3A_14] : memref<2048x256xf32, #tpu.memory_space<hbm>> -> memref<2048x256xf32, #tpu.memory_space<hbm>>
      tpu.wait_indirect_dma semaphore(%arg7 : memref<!tpu.dma_semaphore, #tpu.memory_space<semaphore_mem>>) src(%dma_wait3A_15 : memref<2048x256xf32, #tpu.memory_space<hbm>>) dst(%arg6 : memref<128x256xf32, #tpu.memory_space<vmem>>)
      "tpu.region"() ({
        %run_scoped3A = tpu.sem_alloc : memref<!tpu.dma_semaphore, #tpu.memory_space<semaphore_mem>>
        %dma_start3A_16 = arith.constant 0 : i32
        %dma_start3A_17 = tpu.memref_slice %arg4[%add3A_11, %dma_start3A_16] : memref<65536x256xf32, #tpu.memory_space<hbm>> -> memref<128x256xf32, #tpu.memory_space<hbm>>
        %dma_start3A_18 = arith.constant 0 : i32
        %dma_start3A_19 = tpu.memref_slice %arg4[%add3A_11, %dma_start3A_18] : memref<65536x256xf32, #tpu.memory_space<hbm>> -> memref<128x256xf32, #tpu.memory_space<hbm>>
        tpu.enqueue_dma source(%arg6 : memref<128x256xf32, #tpu.memory_space<vmem>>) target(%dma_start3A_19 : memref<128x256xf32, #tpu.memory_space<hbm>>) target_semaphore(%run_scoped3A : memref<!tpu.dma_semaphore, #tpu.memory_space<semaphore_mem>>)
        %dma_wait3A_20 = arith.constant 0 : i32
        %dma_wait3A_21 = tpu.memref_slice %arg4[%add3A_11, %dma_wait3A_20] : memref<65536x256xf32, #tpu.memory_space<hbm>> -> memref<128x256xf32, #tpu.memory_space<hbm>>
        %dma_wait3A_22 = arith.constant 0 : i32
        %dma_wait3A_23 = tpu.memref_slice %arg4[%add3A_11, %dma_wait3A_22] : memref<65536x256xf32, #tpu.memory_space<hbm>> -> memref<128x256xf32, #tpu.memory_space<hbm>>
        tpu.wait_dma2 semaphore(%run_scoped3A : memref<!tpu.dma_semaphore, #tpu.memory_space<semaphore_mem>>) src(%arg6 : memref<128x256xf32, #tpu.memory_space<vmem>>) dst(%dma_wait3A_23 : memref<128x256xf32, #tpu.memory_space<hbm>>)
        tpu.yield
      }) : () -> ()
    }
    %scan3A_7 = arith.constant 16 : i32
    return
  }
}

module attributes {stable_mosaic.version = 14 : i64} {
  func.func @_argmax_kernel(%arg0: i32, %arg1: memref<256x512xf32, #tpu.memory_space<vmem>>, %arg2: memref<512x2048xf32, #tpu.memory_space<vmem>>, %arg3: memref<1x2048xf32, #tpu.memory_space<vmem>>, %arg4: memref<256x2xi32, #tpu.memory_space<vmem>>, %arg5: memref<2x1024xf32, #tpu.memory_space<vmem>>) attributes {dimension_semantics = [#tpu.dimension_semantics<arbitrary>], iteration_bounds = array<i64: 128>, scalar_prefetch = 0 : i64, scratch_operands = 0 : i64, tpu.core_type = #tpu.core_type<tc>, window_params = [{transform_indices = @transform_0, window_bounds = array<i64: 256, 512>}, {pipeline_mode = #tpu.pipeline_mode<synchronous>, transform_indices = @transform_1, window_bounds = array<i64: 512, 2048>}, {pipeline_mode = #tpu.pipeline_mode<synchronous>, transform_indices = @transform_2, window_bounds = array<i64: 1, 2048>}, {transform_indices = @transform_3, window_bounds = array<i64: 256, 2>}, {pipeline_mode = #tpu.pipeline_mode<synchronous>, transform_indices = @transform_4, window_bounds = array<i64: 2, 1024>}]} {
    %eq3A = arith.constant 0 : i32
    %eq3A_0 = arith.cmpi eq, %arg0, %eq3A : i32
    %convert_element_type3A = arith.extui %eq3A_0 : i1 to i32
    %cond3A = arith.constant 0 : i32
    %cond3A_1 = arith.cmpi ne, %convert_element_type3A, %cond3A : i32
    scf.if %cond3A_1 {
      %broadcast_in_dim3A_76 = arith.constant 0.000000e+00 : f32
      %broadcast_in_dim3A_77 = vector.broadcast %broadcast_in_dim3A_76 : f32 to vector<2x1024xf32>
      %swap3A_78 = arith.constant 0 : index
      %swap3A_79 = arith.constant 0 : index
      %swap3A_80 = vector.load %arg5[%swap3A_78, %swap3A_79] : memref<2x1024xf32, #tpu.memory_space<vmem>>, vector<2x1024xf32>
      tpu.vector_store %arg5[%swap3A_78, %swap3A_79], %broadcast_in_dim3A_77 {strides = array<i32>} : memref<2x1024xf32, #tpu.memory_space<vmem>>, vector<2x1024xf32>,
    } else {
    }
    %get3A = arith.constant 0 : index
    %get3A_2 = arith.constant 0 : index
    %get3A_3 = vector.load %arg1[%get3A, %get3A_2] : memref<256x512xf32, #tpu.memory_space<vmem>>, vector<256x512xf32>
    %get3A_4 = arith.constant 0 : index
    %get3A_5 = arith.constant 0 : index
    %get3A_6 = vector.load %arg2[%get3A_4, %get3A_5] : memref<512x2048xf32, #tpu.memory_space<vmem>>, vector<512x2048xf32>
    %dot_general3A = arith.constant dense<0.000000e+00> : vector<256x2048xf32>
    %dot_general3A_7 = tpu.matmul %get3A_3, %get3A_6, %dot_general3A {dimension_numbers = #tpu.dot_dimension_numbers<[1], [0], [0], [1], [0, 0, 1, 1], [], []>, transpose_lhs_hint = false} : vector<256x512xf32>, vector<512x2048xf32>, vector<256x2048xf32> -> vector<256x2048xf32>
    %get3A_8 = arith.constant 0 : index
    %get3A_9 = arith.constant 0 : index
    %get3A_10 = vector.load %arg3[%get3A_8, %get3A_9] : memref<1x2048xf32, #tpu.memory_space<vmem>>, vector<1x2048xf32>
    %add3A = vector.broadcast %get3A_10 : vector<1x2048xf32> to vector<256x2048xf32>
    %add3A_11 = arith.addf %dot_general3A_7, %add3A : vector<256x2048xf32>
    %iota3A = tpu.iota {dimensions = array<i32: 1>} : vector<256x1024xi32>
    %slice3A = vector.extract_strided_slice %add3A_11 {offsets = [0, 0], sizes = [256, 1024], strides = [1, 1]} : vector<256x2048xf32> to vector<256x1024xf32>
    %reduce_max3A = arith.constant dense<0xFF800000> : vector<256xf32>
    %reduce_max3A_12 = vector.multi_reduction <maximumf>, %slice3A, %reduce_max3A [1] : vector<256x1024xf32> to vector<256xf32>
    %broadcast_in_dim3A = vector.shape_cast %reduce_max3A_12 : vector<256xf32> to vector<256x1xf32>
    %eq3A_13 = vector.broadcast %broadcast_in_dim3A : vector<256x1xf32> to vector<256x1024xf32>
    %eq3A_14 = arith.cmpf oeq, %slice3A, %eq3A_13 : vector<256x1024xf32>
    %jit3A = arith.constant 1024 : i32
    %broadcast_in_dim3A_15 = vector.broadcast %jit3A : i32 to vector<256x1024xi32>
    %select_n3A = arith.select %eq3A_14, %iota3A, %broadcast_in_dim3A_15 : vector<256x1024xi1>, vector<256x1024xi32>
    %reduce_min3A = arith.constant dense<2147483647> : vector<256xi32>
    %reduce_min3A_16 = vector.multi_reduction <minsi>, %select_n3A, %reduce_min3A [1] : vector<256x1024xi32> to vector<256xi32>
    %broadcast_in_dim3A_17 = vector.shape_cast %reduce_min3A_16 : vector<256xi32> to vector<256x1xi32>
    %eq3A_18 = vector.broadcast %broadcast_in_dim3A_17 : vector<256x1xi32> to vector<256x1024xi32>
    %eq3A_19 = arith.cmpi eq, %iota3A, %eq3A_18 : vector<256x1024xi32>
    %convert_element_type3A_20 = arith.extui %eq3A_19 : vector<256x1024xi1> to vector<256x1024xi32>
    %convert_element_type3A_21 = arith.sitofp %convert_element_type3A_20 : vector<256x1024xi32> to vector<256x1024xf32>
    %get3A_22 = arith.constant 0 : index
    %get3A_23 = arith.constant 0 : index
    %get3A_24 = vector.load %arg5[%get3A_22, %get3A_23] : memref<2x1024xf32, #tpu.memory_space<vmem>>, vector<1x1024xf32>
    %get3A_25 = vector.shape_cast %get3A_24 : vector<1x1024xf32> to vector<1024xf32>
    %reduce_sum3A = arith.constant dense<0.000000e+00> : vector<1024xf32>
    %reduce_sum3A_26 = vector.multi_reduction <add>, %convert_element_type3A_21, %reduce_sum3A [0] : vector<256x1024xf32> to vector<1024xf32>
    %add3A_27 = arith.addf %get3A_25, %reduce_sum3A_26 : vector<1024xf32>
    %swap3A = arith.constant 0 : index
    %swap3A_28 = arith.constant 0 : index
    %swap3A_29 = vector.load %arg5[%swap3A, %swap3A_28] : memref<2x1024xf32, #tpu.memory_space<vmem>>, vector<1x1024xf32>
    %swap3A_30 = vector.shape_cast %swap3A_29 : vector<1x1024xf32> to vector<1024xf32>
    %swap3A_31 = vector.shape_cast %add3A_27 : vector<1024xf32> to vector<1x1024xf32>
    tpu.vector_store %arg5[%swap3A, %swap3A_28], %swap3A_31 {strides = array<i32>} : memref<2x1024xf32, #tpu.memory_space<vmem>>, vector<1x1024xf32>,
    %add3A_32 = arith.constant 0 : i32
    %add3A_33 = vector.broadcast %add3A_32 : i32 to vector<256xi32>
    %add3A_34 = arith.addi %reduce_min3A_16, %add3A_33 : vector<256xi32>
    %broadcast_in_dim3A_35 = vector.shape_cast %add3A_34 : vector<256xi32> to vector<256x1xi32>
    %slice3A_36 = vector.extract_strided_slice %add3A_11 {offsets = [0, 1024], sizes = [256, 1024], strides = [1, 1]} : vector<256x2048xf32> to vector<256x1024xf32>
    %reduce_max3A_37 = arith.constant dense<0xFF800000> : vector<256xf32>
    %reduce_max3A_38 = vector.multi_reduction <maximumf>, %slice3A_36, %reduce_max3A_37 [1] : vector<256x1024xf32> to vector<256xf32>
    %broadcast_in_dim3A_39 = vector.shape_cast %reduce_max3A_38 : vector<256xf32> to vector<256x1xf32>
    %eq3A_40 = vector.broadcast %broadcast_in_dim3A_39 : vector<256x1xf32> to vector<256x1024xf32>
    %eq3A_41 = arith.cmpf oeq, %slice3A_36, %eq3A_40 : vector<256x1024xf32>
    %jit3A_42 = arith.constant 1024 : i32
    %broadcast_in_dim3A_43 = vector.broadcast %jit3A_42 : i32 to vector<256x1024xi32>
    %select_n3A_44 = arith.select %eq3A_41, %iota3A, %broadcast_in_dim3A_43 : vector<256x1024xi1>, vector<256x1024xi32>
    %reduce_min3A_45 = arith.constant dense<2147483647> : vector<256xi32>
    %reduce_min3A_46 = vector.multi_reduction <minsi>, %select_n3A_44, %reduce_min3A_45 [1] : vector<256x1024xi32> to vector<256xi32>
    %broadcast_in_dim3A_47 = vector.shape_cast %reduce_min3A_46 : vector<256xi32> to vector<256x1xi32>
    %eq3A_48 = vector.broadcast %broadcast_in_dim3A_47 : vector<256x1xi32> to vector<256x1024xi32>
    %eq3A_49 = arith.cmpi eq, %iota3A, %eq3A_48 : vector<256x1024xi32>
    %convert_element_type3A_50 = arith.extui %eq3A_49 : vector<256x1024xi1> to vector<256x1024xi32>
    %convert_element_type3A_51 = arith.sitofp %convert_element_type3A_50 : vector<256x1024xi32> to vector<256x1024xf32>
    %get3A_52 = arith.constant 1 : index
    %get3A_53 = arith.constant 0 : index
    %get3A_54 = vector.load %arg5[%get3A_52, %get3A_53] : memref<2x1024xf32, #tpu.memory_space<vmem>>, vector<1x1024xf32>
    %get3A_55 = vector.shape_cast %get3A_54 : vector<1x1024xf32> to vector<1024xf32>
    %reduce_sum3A_56 = arith.constant dense<0.000000e+00> : vector<1024xf32>
    %reduce_sum3A_57 = vector.multi_reduction <add>, %convert_element_type3A_51, %reduce_sum3A_56 [0] : vector<256x1024xf32> to vector<1024xf32>
    %add3A_58 = arith.addf %get3A_55, %reduce_sum3A_57 : vector<1024xf32>
    %swap3A_59 = arith.constant 1 : index
    %swap3A_60 = arith.constant 0 : index
    %swap3A_61 = vector.load %arg5[%swap3A_59, %swap3A_60] : memref<2x1024xf32, #tpu.memory_space<vmem>>, vector<1x1024xf32>
    %swap3A_62 = vector.shape_cast %swap3A_61 : vector<1x1024xf32> to vector<1024xf32>
    %swap3A_63 = vector.shape_cast %add3A_58 : vector<1024xf32> to vector<1x1024xf32>
    tpu.vector_store %arg5[%swap3A_59, %swap3A_60], %swap3A_63 {strides = array<i32>} : memref<2x1024xf32, #tpu.memory_space<vmem>>, vector<1x1024xf32>,
    %add3A_64 = arith.constant 1024 : i32
    %add3A_65 = vector.broadcast %add3A_64 : i32 to vector<256xi32>
    %add3A_66 = arith.addi %reduce_min3A_46, %add3A_65 : vector<256xi32>
    %broadcast_in_dim3A_67 = vector.shape_cast %add3A_66 : vector<256xi32> to vector<256x1xi32>
    %concatenate3A = tpu.concatenate %broadcast_in_dim3A_35, %broadcast_in_dim3A_67 in 1 : vector<256x1xi32>, vector<256x1xi32> -> vector<256x2xi32>
    %swap3A_68 = arith.constant 0 : index
    %swap3A_69 = arith.constant 0 : index
    %swap3A_70 = vector.load %arg4[%swap3A_68, %swap3A_69] : memref<256x2xi32, #tpu.memory_space<vmem>>, vector<256x2xi32>
    tpu.vector_store %arg4[%swap3A_68, %swap3A_69], %concatenate3A {strides = array<i32>} : memref<256x2xi32, #tpu.memory_space<vmem>>, vector<256x2xi32>,
    %eq3A_71 = arith.constant 127 : i32
    %eq3A_72 = arith.cmpi eq, %arg0, %eq3A_71 : i32
    %convert_element_type3A_73 = arith.extui %eq3A_72 : i1 to i32
    %cond3A_74 = arith.constant 0 : i32
    %cond3A_75 = arith.cmpi ne, %convert_element_type3A_73, %cond3A_74 : i32
    scf.if %cond3A_75 {
      %get3A_76 = arith.constant 0 : index
      %get3A_77 = arith.constant 0 : index
      %get3A_78 = vector.load %arg5[%get3A_76, %get3A_77] : memref<2x1024xf32, #tpu.memory_space<vmem>>, vector<2x1024xf32>
      %mul3A = arith.constant 3.05175781E-5 : f32
      %mul3A_79 = vector.broadcast %mul3A : f32 to vector<2x1024xf32>
      %mul3A_80 = arith.mulf %get3A_78, %mul3A_79 : vector<2x1024xf32>
      %swap3A_81 = arith.constant 0 : index
      %swap3A_82 = arith.constant 0 : index
      %swap3A_83 = vector.load %arg5[%swap3A_81, %swap3A_82] : memref<2x1024xf32, #tpu.memory_space<vmem>>, vector<2x1024xf32>
      tpu.vector_store %arg5[%swap3A_81, %swap3A_82], %mul3A_80 {strides = array<i32>} : memref<2x1024xf32, #tpu.memory_space<vmem>>, vector<2x1024xf32>,
    } else {
    }
    return
  }
  func.func @transform_0(%arg0: i32) -> (i32, i32) {
    %c0_i32 = arith.constant 0 : i32
    %c0_i32_0 = arith.constant 0 : i32
    return %arg0, %c0_i32 : i32, i32
  }
  func.func @transform_1(%arg0: i32) -> (i32, i32) {
    %c0_i32 = arith.constant 0 : i32
    %c0_i32_0 = arith.constant 0 : i32
    %c0_i32_1 = arith.constant 0 : i32
    return %c0_i32, %c0_i32_0 : i32, i32
  }
  func.func @transform_2(%arg0: i32) -> (i32, i32) {
    %c0_i32 = arith.constant 0 : i32
    %c0_i32_0 = arith.constant 0 : i32
    %c0_i32_1 = arith.constant 0 : i32
    return %c0_i32, %c0_i32_0 : i32, i32
  }
  func.func @transform_3(%arg0: i32) -> (i32, i32) {
    %c0_i32 = arith.constant 0 : i32
    %c0_i32_0 = arith.constant 0 : i32
    return %arg0, %c0_i32 : i32, i32
  }
  func.func @transform_4(%arg0: i32) -> (i32, i32) {
    %c0_i32 = arith.constant 0 : i32
    %c0_i32_0 = arith.constant 0 : i32
    %c0_i32_1 = arith.constant 0 : i32
    return %c0_i32, %c0_i32_0 : i32, i32
  }
}

</mosaic_0001>

<sc_bundles>
// kernel: kernel.4.cloned.1.call-start
scs
__scs_entry_jumppad:
0x0: {  	(pc) =	sbr.rel $0x88, $3  }
0x1: {  	(tag) =	ssettag $0x0;
	lr =	simm.s32 $0x1  }
0x2: {  	[smem:$0x3F9D] =	sst lr;
	_ =	strace $0xD0000000  }
0x3: {  	_ = 	snop  }
0x4: {  	_ = 	snop  }
0x5: {  	_ = 	snop  }
0x6: {  	_ = 	snop  }
0x7: {  	_ = 	snop  }
__scs_overlays_trampoline_lowered:
0x8: {  	[smem:$0x3FAC] =	sst s0  }
0x9: {  	[smem:$0x3FAD] =	sst s1  }
0xa: {  	[smem:$0x3FAE] =	sst s2  }
0xb: {  	[smem:$0x3FAF] =	sst s3  }
0xc: {  	[smem:$0x3FB0] =	sst s4  }
0xd: {  	[smem:$0x3FB1] =	sst s5  }
0xe: {  	[smem:$0x3FB2] =	sst s6  }
0xf: {  	[smem:$0x3FB3] =	sst s7  }
0x10: {  	[smem:$0x3FB4] =	sst s8  }
0x11: {  	[smem:$0x3FB5] =	sst s9;
	s0 =	simm.s32 @!p0 $0x0  }
0x12: {  	s1 =	sld [smem:$0x3F9B];
	s0 =	simm.s32 @p0 $0x1  }
0x13: {  	[smem:$0x3FB6] =	sst s0;
	s0 =	simm.s32 @!p1 $0x0  }
0x14: {  	s2 =	sld [smem:$0x3F9A];
	s0 =	simm.s32 @p1 $0x1  }
0x15: {  	[smem:$0x3FB7] =	sst s0;
	s0 =	simm.s32 @!p2 $0x0  }
0x16: {  	s3 =	sld [smem:$0x3FDB];
	s0 =	simm.s32 @p2 $0x1  }
0x17: {  	s4 =	simm.s32 $0x1BF5;
	[smem:$0x3FB9] =	sst s0  }
0x18: {  	s0 =	sld [smem:$0x3F9C];
	_ =	swait.ge [sflag:s4], $0x0  }
0x19: {  	s7 =	sld [smem:$0x3F9D]  }
0x1a: {  	s8 =	sadd.s32 $0xFFFFE003, lr  }
0x1b: {  	s9 =	sadd.s32 $0xFFFFFEF7, lr;
	s5 =	simm.s32 $0xFFFFFFFF;
	p2 =	slt.u32 s8, $0xFFFFF086  }
0x1c: {  	p1 =	slt.u32 s9, $0xF7A;
	s5 =	simm.s32 @!p2 $0x0  }
0x1d: {  	s5 =	simm.s32 @p1 $0x1;
	p0 =	seq.s32 s7, s2  }
0x1e: {  	s7 =	smul.u32 @!p0 $0xF7A, s2;
	p2 =	seq.s32 @!p0 s5, $0x0  }
0x1f: {  	s9 =	smul.u32 $0xF7A, s1;
	s8 =	simm.s32 @!p0 $0x1BF5;
	p2 =	por !p2, p0  }
0x20: {  	[sflag:s8] =	ssyncset.s32 @!p0 $0xFFFFF086;
	s6 =	sadd.s32 @!p0 s3, s7;
	s7 =	simm.s32 @!p0 $0x108  }
0x21: {  	s3 =	sadd.s32 s3, s9;
	s6 =	sadd.s32 @!p0 $0x88, s6;
	s7 =	simm.s32 @p2 $0x1082  }
0x22: {  	[simem:s7], [sflag:s8] =	dma.local @!p0 [hbm:s6], $0xF7A  }
0x23: {  	s9 =	sor.u32 $0xD0000000, s2;
	s6 =	simm.s32 $0x108;
	_ =	swait.ge @!p0 [sflag:s8], $0x0  }
0x24: {  	s3 =	sadd.s32 $0x88, s3;
	s6 =	simm.s32 @!p1 $0x1082;
	[sflag:s4] =	ssyncset.s32 $0xFFFFF086  }
0x25: {  	[simem:s6], [sflag:s4] =	dma.local [hbm:s3], $0xF7A  }
0x26: {  	[smem:$0x3F9D] =	sst s1;
	(tag) =	ssettag s2;
	_ =	strace s9  }
0x27: {  	s1 =	sld [smem:$0x3FAD]  }
0x28: {  	s2 =	sld [smem:$0x3FAE]  }
0x29: {  	s4 =	sld [smem:$0x3FB0]  }
0x2a: {  	p0 =	seq.s32 s5, $0x0;
	s5 =	sld [smem:$0x3FB1]  }
0x2b: {  	s6 =	sld [smem:$0x3FB2]  }
0x2c: {  	s7 =	sld [smem:$0x3FB3]  }
0x2d: {  	s3 =	simm.s32 $0x108;
	s8 =	sld [smem:$0x3FB4]  }
0x2e: {  	s3 =	simm.s32 @!p0 $0x1082;
	s9 =	sld [smem:$0x3FB5]  }
0x2f: {  	lr =	sadd.s32 s0, s3;
	s0 =	sld [smem:$0x3FAC]  }
0x30: {  	s3 =	sld [smem:$0x3FAF]  }
0x31: {  	[smem:$0x3FB8] =	sst s10  }
0x32: {  	s10 =	sld [smem:$0x3FB6];
	_ =	sdelay $0x3  }
0x33: {  	p0 =	seq.s32 s10, $0x1;
	s10 =	sld [smem:$0x3FB8];
	_ =	sdelay $0x3  }
0x34: {  	[smem:$0x3FB8] =	sst s10  }
0x35: {  	s10 =	sld [smem:$0x3FB7];
	_ =	sdelay $0x3  }
0x36: {  	p1 =	seq.s32 s10, $0x1;
	s10 =	sld [smem:$0x3FB8];
	_ =	sdelay $0x3  }
0x37: {  	[smem:$0x3FB8] =	sst s10  }
0x38: {  	s10 =	sld [smem:$0x3FB9]  }
0x39: {  	_ = 	snop;
	(pc) =	sbr.ind lr, $3  }
0x3a: {  	_ = 	snop  }
0x3b: {  	_ = 	snop  }
0x3c: {  	p2 =	seq.s32 s10, $0x1;
	s10 =	sld [smem:$0x3FB8]  }
0x3d: {  	_ =	shalt  }
0x3e: {  	_ =	shalt  }
0x3f: {  	_ =	shalt  }
0x40: {  	_ =	shalt  }
0x41: {  	_ =	shalt  }
0x42: {  	_ =	shalt  }
0x43: {  	_ =	shalt  }
0x44: {  	_ =	shalt  }
0x45: {  	_ =	shalt  }
0x46: {  	_ =	shalt  }
0x47: {  	_ =	shalt  }
0x48: {  	_ =	shalt  }
0x49: {  	_ =	shalt  }
0x4a: {  	_ =	shalt  }
0x4b: {  	_ =	shalt  }
0x4c: {  	_ =	shalt  }
0x4d: {  	_ =	shalt  }
0x4e: {  	_ =	shalt  }
0x4f: {  	_ =	shalt  }
0x50: {  	_ =	shalt  }
0x51: {  	_ =	shalt  }
0x52: {  	_ =	shalt  }
0x53: {  	_ =	shalt  }
0x54: {  	_ =	shalt  }
0x55: {  	_ =	shalt  }
0x56: {  	_ =	shalt  }
0x57: {  	_ =	shalt  }
0x58: {  	_ =	shalt  }
0x59: {  	_ =	shalt  }
0x5a: {  	_ =	shalt  }
0x5b: {  	_ =	shalt  }
0x5c: {  	_ =	shalt  }
0x5d: {  	_ =	shalt  }
0x5e: {  	_ =	shalt  }
0x5f: {  	_ =	shalt  }
0x60: {  	_ =	shalt  }
0x61: {  	_ =	shalt  }
0x62: {  	_ =	shalt  }
0x63: {  	_ =	shalt  }
0x64: {  	_ =	shalt  }
0x65: {  	_ =	shalt  }
0x66: {  	_ =	shalt  }
0x67: {  	_ =	shalt  }
0x68: {  	_ =	shalt  }
0x69: {  	_ =	shalt  }
0x6a: {  	_ =	shalt  }
0x6b: {  	_ =	shalt  }
0x6c: {  	_ =	shalt  }
0x6d: {  	_ =	shalt  }
0x6e: {  	_ =	shalt  }
0x6f: {  	_ =	shalt  }
0x70: {  	_ =	shalt  }
0x71: {  	_ =	shalt  }
0x72: {  	_ =	shalt  }
0x73: {  	_ =	shalt  }
0x74: {  	_ =	shalt  }
0x75: {  	_ =	shalt  }
0x76: {  	_ =	shalt  }
0x77: {  	_ =	shalt  }
0x78: {  	_ =	shalt  }
0x79: {  	_ =	shalt  }
0x7a: {  	_ =	shalt  }
0x7b: {  	_ =	shalt  }
0x7c: {  	_ =	shalt  }
0x7d: {  	_ =	shalt  }
0x7e: {  	_ =	shalt  }
0x7f: {  	_ =	shalt  }
0x80: {  	_ =	shalt  }
0x81: {  	_ =	shalt  }
0x82: {  	_ =	shalt  }
0x83: {  	_ =	shalt  }
0x84: {  	_ =	shalt  }
0x85: {  	_ =	shalt  }
0x86: {  	_ =	shalt  }
0x87: {  	_ =	shalt  }
.Lfunc_end0:
.L_simem_size_0:
called_computation_lowered:
.L_overlay_start_0:
0x88: {  	s2 =	sld [smem:$0x3FD9]  }
0x89: {  	s3 =	sld [smem:$0x3FFE];
	_ =	sdelay $0x1  }
0x8a: {  	s1 =	srdreg.scid  }
0x8b: {  	s0 =	sand.u32 $0x1, s1  }
0x8c: {  	s14 =	sshll.u32 s0, $0xA;
	s2 =	sadd.s32 s3, s2  }
0x8d: {  	s2 =	sadd.s32 s2, s14  }
0x8e: {  	[smem:$0x3FC4] =	sst s2  }
0x8f: {  	_ = 	snop  }
0x90: {  	s2 =	sld [smem:$0x3FD0];
	_ =	sdelay $0x2  }
0x91: {  	s4 =	simm.s32 $0xA;
	s5 =	simm.s32 $0x10;
	s15 =	sld [smem:$0x3FC6]  }
0x92: {  	[smem:s5], [sflag:s4] =	dma.local [hbm:s2], $0x1  }
0x93: {  	_ =	swait.eq [sflag:s4], $0x1  }
0x94: {  	[sflag:s4] =	ssyncset.done $0x0  }
0x95: {  	[sflag:s4] =	ssyncadd.s32 $0xFFFFFFFF  }
0x96: {  	s16 =	sld [smem:$0x10];
	(tm) =	ssettm $0x1  }
0x97: {  	s17 =	sld [smem:$0x3FFB];
	_ =	sdelay $0x3  }
0x98: {  	_ =	strace s17  }
0x99: {  	s4 =	sld [smem:$0x3FFC];
	_ =	sdelay $0x3  }
0x9a: {  	_ =	strace s4  }
0x9b: {  	s4 =	sld [smem:$0x3FFD];
	_ =	sdelay $0x3  }
0x9c: {  	_ =	strace s4  }
0x9d: {  	_ =	strace $0x8FFFFFFF  }
0x9e: {  	s18 =	sld [smem:$0x3FDB];
	_ =	sdelay $0x1  }
0x9f: {  	s19 =	simm.s32 $_scs_section_size  }
0xa0: {  	s6 =	simm.s32 $_size__tile_overlayer_lowered;
	s7 =	simm.s32 $_tile_overlayer_lowered  }
0xa1: {  	s22 =	simm.s32 $0x1BFF;
	s21 =	sshll.u32 s7, $0x1;
	s4 =	sadd.s32 s19, s18  }
0xa2: {  	s8 =	simm.s32 $0x0;
	s20 =	sshll.u32 s6, $0x1;
	s6 =	sadd.s32 s21, s4  }
0xa3: {  	[timem:s8], [sflag:s22] =	dma.local [hbm:s6], s20  }
0xa4: {  	_ =	swait.ge [sflag:s22], s20  }
0xa5: {  	s5 =	ssub.s32 $0x0, s20;
	[sflag:s22] =	ssyncset.done $0x0  }
0xa6: {  	[sflag:s22] =	ssyncadd.s32 s5;
	_ =	sdelay $0x1  }
0xa7: {  	s23 =	simm.s32 $0x1B8B  }
0xa8: {  	_ =	swait.ge [sflag:s23], $0x1  }
0xa9: {  	[sflag:s23] =	ssyncset.done $0x0  }
0xaa: {  	s25 =	simm.s32 $0x1B8E;
	s24 =	sld [smem:$0x3FFE];
	[sflag:s23] =	ssyncadd.s32 $0xFFFFFFFF  }
0xab: {  	s26 =	simm.s32 $execute0_lowered;
	[smem:$0x3FD2] =	sst s25  }
0xac: {  	s6 =	sshll.u32 s26, $0x1;
	_ =	strace $0x80000046;
	[dreg:$0x1] =	wrdreg $0xFFFFFFFF  }
0xad: {  	s28 =	simm.s32 $_size_execute0_lowered;
	s4 =	sadd.s32 s4, s6;
	[dreg:$0x0] =	wrdreg $0x0  }
0xae: {  	s6 =	sshll.u32 s28, $0x1;
	[dreg:$0x2] =	wrdreg s4  }
0xaf: {  	[dreg:$0x3] =	wrdreg s6  }
0xb0: {  	[dreg:$0x4] =	wrdreg $0xC0  }
0xb1: {  	_ =	task [dreg:s8], $0x5FFFF  }
0xb2: {  	[dreg:$0x1] =	wrdreg $0xFFFFFFFF  }
0xb3: {  	[dreg:$0x0] =	wrdreg $0x60  }
0xb4: {  	[dreg:$0x2] =	wrdreg s15  }
0xb5: {  	[dreg:$0x3] =	wrdreg s16  }
0xb6: {  	[dreg:$0x4] =	wrdreg s24  }
0xb7: {  	[dreg:$0x5] =	wrdreg $0x9  }
0xb8: {  	_ =	task.clear_ibuf [dreg:s8], $0x6FFFF;
	_ =	strace $0x90000046  }
0xb9: {  	s29 =	simm.s32 $0x9;
	_ =	strace $0x80000048  }
0xba: {  	_ =	swait.ge [sflag:s29], $0x1  }
0xbb: {  	[sflag:s29] =	ssyncadd.s32 $0xFFFFFFFF  }
0xbc: {  	_ =	strace $0x90000048  }
0xbd: {  	_ =	sfence  }
0xbe: {  	s30 =	sld [smem:$0x0];
	_ =	sdelay $0x2  }
0xbf: {  	s31 =	sshll.u32 s1, $0xD;
	s1 =	sshrl.u32 s1, $0x2  }
0xc0: {  	s3 =	sand.u32 $0x4000, s31;
	s1 =	sadd.s32 s1, s30  }
0xc1: {  	s0 =	sor.u32 s3, s0;
	s1 =	sshll.u32 s1, $0x11  }
0xc2: {  	s0 =	sor.u32 s1, s0  }
0xc3: {  	s0 =	sadd.s32 $0x8F2B, s0  }
0xc4: {  	[sflag:s0] =	ssyncadd.remote.s32 $0x1  }
0xc5: {  	_ =	sfence.sel $0xFFFF  }
0xc6: {  	[dreg:$0x0] =	wrdreg $0xFFFFFFFF;
	(pc) =	sbr.abs _section_cstart, $3  }
0xc7: {  	[dreg:$0x1] =	wrdreg $0xFFFFFFFF  }
0xc8: {  	_ =	task.clear_ibuf [dreg:s8], $0x2FFFF;
	_ =	strace $0x9FFFFFFF  }
0xc9: {  	(tm) =	ssettm $0x7FFFFFFF  }
tec
execute0_lowered:
.L_overlay_start_1:
0x0: {  	(tag) =	ssettag $0x1  }
0x1: {  	s1 =	rddreg [dreg:$0x0]  }
0x2: {  	s6 =	rddreg [dreg:$0x1]  }
0x3: {  	s4 =	rddreg [dreg:$0x2]  }
0x4: {  	s0 =	rddreg [dreg:$0x3]  }
0x5: {  	s3 =	simm.s32 $0x0;
	s2 =	stileid.u32;
	s5 =	srdreg.scid  }
0x6: {  	s11 =	simm.s32 $0x1880;
	s12 =	simm.s32 $0x2080;
	s13 =	simm.s32 $0x2880  }
0x7: {  	s14 =	simm.s32 $0x3080;
	s15 =	simm.s32 $0x3880;
	s16 =	simm.s32 $0x4080  }
0x8: {  	s17 =	simm.s32 $0x4880;
	s18 =	simm.s32 $0x5080;
	s19 =	simm.s32 $0x5880  }
0x9: {  	s20 =	simm.s32 $0x6080;
	s21 =	simm.s32 $0x6880;
	s22 =	simm.s32 $0x7080  }
0xa: {  	s23 =	simm.s32 $0x7880;
	s24 =	simm.s32 $0x1;
	s25 =	simm.s32 $0x0  }
0xb: {  	[smem:$0x7FF] =	sst s3;
	s7 =	sshll.u32 s2, $0x11;
	s5 =	sand.u32 $0x1, s5  }
0xc: {  	s9 =	sshll.u32 s2, $0xC;
	_ =	strace $0x80000047;
	s7 =	sadd.s32 s7, s4  }
0xd: {  	s29 =	ssub.s32 $0x2, s5;
	s10 =	sshll.u32 s5, $0xB;
	s5 =	sshll.u32 s5, $0x10  }
0xe: {  	s8 =	sshrl.u32 s29, $0x1;
	s30 =	sor.u32 s10, s9;
	s5 =	sadd.s32 s5, s7  }
0xf: {  	v2 =	vlaneseq.u32;
	s7 =	simm.s32 $0x2;
	s9 =	simm.s32 $0x880;
	s10 =	simm.s32 $0x1080  }
0x10: {  	vm0 =	vmmov $0xffff;
	v1 =	vshrl.u32 v2, $0x3;
	s4 =	ssub.s32 s29, s8;
	s31 =	sshrl.u32 s30, $0x3;
	s5 =	sadd.s32 $0xA00, s5  }
0x11: {  	v0 =	vand.u32 $0x7, v2;
	v2 =	vor.u32 $0x8, v2;
	v1 =	vmul.u32 $0x8, v1;
	s8 =	simm.s32 $0x80;
	s4 =	smax.u32 s4, $0x1;
	s6 =	sadd.s32 s31, s6  }
.LBB2_1:
0x12: {  	s26 =	smov.u32 s5;
	s28 =	simm.s32 $0x0  }
.LBB2_2:
0x13: {  	s29 =	sadd.s32 s28, s6  }
0x14: {  	[tilespmem:s3], [sflag:$0x2] =	stream.linear.gather [hbm4b:s29+s3], $0x80, $0x38;
	[tilespmem:$0x8080] =	vst v63  }
0x15: {  	_ =	swait.ge [sflag:s7], $0x80  }
0x16: {  	[sflag:s7] =	ssyncset.done $0x0  }
0x17: {  	[sflag:s7] =	ssyncadd.s32 $0xFFFFFF80  }
0x18: {  	v3 =	vld [tilespmem:$0x0];
	_ =	sdelay $0x4  }
0x19: {  	v4 =	vshll.u32 v3, $0x1  }
0x1a: {  	v3 =	vand.u32 $0x7, v3;
	v4 =	vand.u32 $0xFFFFFFF0, v4  }
0x1b: {  	v3 =	vor.u32 v3, v4  }
0x1c: {  	v4 =	vperm.xlane v3, v0;
	_ =	sdelay $0x1  }
0x1d: {  	v3 =	vperm.xlane v3, v2;
	v4 =	vadd.s32 v1, v4;
	_ =	sdelay $0x1  }
0x1e: {  	v3 =	vadd.s32 v1, v3;
	_ =	sdelay $0x2  }
0x1f: {  	[tilespmem:s8], [sflag:$0x1] =	stream.indirect_vreg.gather [hbm4b:s1+s3], $0x80, v4, vm0, $0xb8;
	[tilespmem:$0x8080] =	vst v63  }
0x20: {  	_ = 	snop  }
0x21: {  	[tilespmem:s9], [sflag:$0x1] =	stream.indirect_vreg.gather [hbm4b:s1+s3], $0x80, v3, vm0, $0xb8;
	[tilespmem:$0x8080] =	vst v63  }
0x22: {  	v3 =	vld [tilespmem:$0x10];
	_ =	sdelay $0x4  }
0x23: {  	v57 =	vshll.u32 v3, $0x1  }
0x24: {  	v3 =	vand.u32 $0x7, v3;
	v4 =	vand.u32 $0xFFFFFFF0, v57  }
0x25: {  	v3 =	vor.u32 v3, v4  }
0x26: {  	v4 =	vperm.xlane v3, v0;
	_ =	sdelay $0x1  }
0x27: {  	v3 =	vperm.xlane v3, v2;
	v4 =	vadd.s32 v1, v4;
	_ =	sdelay $0x1  }
0x28: {  	v3 =	vadd.s32 v1, v3;
	_ =	sdelay $0x2  }
0x29: {  	[tilespmem:s10], [sflag:$0x1] =	stream.indirect_vreg.gather [hbm4b:s1+s3], $0x80, v4, vm0, $0xb8;
	[tilespmem:$0x8080] =	vst v63  }
0x2a: {  	_ = 	snop  }
0x2b: {  	[tilespmem:s11], [sflag:$0x1] =	stream.indirect_vreg.gather [hbm4b:s1+s3], $0x80, v3, vm0, $0xb8;
	[tilespmem:$0x8080] =	vst v63  }
0x2c: {  	v3 =	vld [tilespmem:$0x20];
	_ =	sdelay $0x4  }
0x2d: {  	v58 =	vshll.u32 v3, $0x1  }
0x2e: {  	v3 =	vand.u32 $0x7, v3;
	v4 =	vand.u32 $0xFFFFFFF0, v58  }
0x2f: {  	v3 =	vor.u32 v3, v4  }
0x30: {  	v4 =	vperm.xlane v3, v0;
	_ =	sdelay $0x1  }
0x31: {  	v3 =	vperm.xlane v3, v2;
	v4 =	vadd.s32 v1, v4;
	_ =	sdelay $0x1  }
0x32: {  	v3 =	vadd.s32 v1, v3;
	_ =	sdelay $0x2  }
0x33: {  	[tilespmem:s12], [sflag:$0x1] =	stream.indirect_vreg.gather [hbm4b:s1+s3], $0x80, v4, vm0, $0xb8;
	[tilespmem:$0x8080] =	vst v63  }
0x34: {  	_ = 	snop  }
0x35: {  	[tilespmem:s13], [sflag:$0x1] =	stream.indirect_vreg.gather [hbm4b:s1+s3], $0x80, v3, vm0, $0xb8;
	[tilespmem:$0x8080] =	vst v63  }
0x36: {  	v3 =	vld [tilespmem:$0x30];
	_ =	sdelay $0x4  }
0x37: {  	v59 =	vshll.u32 v3, $0x1  }
0x38: {  	v3 =	vand.u32 $0x7, v3;
	v4 =	vand.u32 $0xFFFFFFF0, v59  }
0x39: {  	v3 =	vor.u32 v3, v4  }
0x3a: {  	v4 =	vperm.xlane v3, v0;
	_ =	sdelay $0x1  }
0x3b: {  	v3 =	vperm.xlane v3, v2;
	v4 =	vadd.s32 v1, v4;
	_ =	sdelay $0x1  }
0x3c: {  	v3 =	vadd.s32 v1, v3;
	_ =	sdelay $0x2  }
0x3d: {  	[tilespmem:s14], [sflag:$0x1] =	stream.indirect_vreg.gather [hbm4b:s1+s3], $0x80, v4, vm0, $0xb8;
	[tilespmem:$0x8080] =	vst v63  }
0x3e: {  	_ = 	snop  }
0x3f: {  	[tilespmem:s15], [sflag:$0x1] =	stream.indirect_vreg.gather [hbm4b:s1+s3], $0x80, v3, vm0, $0xb8;
	[tilespmem:$0x8080] =	vst v63  }
0x40: {  	v3 =	vld [tilespmem:$0x40];
	_ =	sdelay $0x4  }
0x41: {  	v60 =	vshll.u32 v3, $0x1  }
0x42: {  	v3 =	vand.u32 $0x7, v3;
	v4 =	vand.u32 $0xFFFFFFF0, v60  }
0x43: {  	v3 =	vor.u32 v3, v4  }
0x44: {  	v4 =	vperm.xlane v3, v0;
	_ =	sdelay $0x1  }
0x45: {  	v3 =	vperm.xlane v3, v2;
	v4 =	vadd.s32 v1, v4;
	_ =	sdelay $0x1  }
0x46: {  	v3 =	vadd.s32 v1, v3;
	_ =	sdelay $0x2  }
0x47: {  	[tilespmem:s16], [sflag:$0x1] =	stream.indirect_vreg.gather [hbm4b:s1+s3], $0x80, v4, vm0, $0xb8;
	[tilespmem:$0x8080] =	vst v63  }
0x48: {  	_ = 	snop  }
0x49: {  	[tilespmem:s17], [sflag:$0x1] =	stream.indirect_vreg.gather [hbm4b:s1+s3], $0x80, v3, vm0, $0xb8;
	[tilespmem:$0x8080] =	vst v63  }
0x4a: {  	v3 =	vld [tilespmem:$0x50];
	_ =	sdelay $0x4  }
0x4b: {  	v61 =	vshll.u32 v3, $0x1  }
0x4c: {  	v3 =	vand.u32 $0x7, v3;
	v4 =	vand.u32 $0xFFFFFFF0, v61  }
0x4d: {  	v3 =	vor.u32 v3, v4  }
0x4e: {  	v4 =	vperm.xlane v3, v0;
	_ =	sdelay $0x1  }
0x4f: {  	v3 =	vperm.xlane v3, v2;
	v4 =	vadd.s32 v1, v4;
	_ =	sdelay $0x1  }
0x50: {  	v3 =	vadd.s32 v1, v3;
	_ =	sdelay $0x2  }
0x51: {  	[tilespmem:s18], [sflag:$0x1] =	stream.indirect_vreg.gather [hbm4b:s1+s3], $0x80, v4, vm0, $0xb8;
	[tilespmem:$0x8080] =	vst v63  }
0x52: {  	_ = 	snop  }
0x53: {  	[tilespmem:s19], [sflag:$0x1] =	stream.indirect_vreg.gather [hbm4b:s1+s3], $0x80, v3, vm0, $0xb8;
	[tilespmem:$0x8080] =	vst v63  }
0x54: {  	v3 =	vld [tilespmem:$0x60];
	_ =	sdelay $0x4  }
0x55: {  	v62 =	vshll.u32 v3, $0x1  }
0x56: {  	v3 =	vand.u32 $0x7, v3;
	v4 =	vand.u32 $0xFFFFFFF0, v62  }
0x57: {  	v3 =	vor.u32 v3, v4  }
0x58: {  	v4 =	vperm.xlane v3, v0;
	_ =	sdelay $0x1  }
0x59: {  	v3 =	vperm.xlane v3, v2;
	v4 =	vadd.s32 v1, v4;
	_ =	sdelay $0x1  }
0x5a: {  	v3 =	vadd.s32 v1, v3;
	_ =	sdelay $0x2  }
0x5b: {  	[tilespmem:s20], [sflag:$0x1] =	stream.indirect_vreg.gather [hbm4b:s1+s3], $0x80, v4, vm0, $0xb8;
	[tilespmem:$0x8080] =	vst v63  }
0x5c: {  	_ = 	snop  }
0x5d: {  	[tilespmem:s21], [sflag:$0x1] =	stream.indirect_vreg.gather [hbm4b:s1+s3], $0x80, v3, vm0, $0xb8;
	[tilespmem:$0x8080] =	vst v63  }
0x5e: {  	v3 =	vld [tilespmem:$0x70];
	_ =	sdelay $0x4  }
0x5f: {  	v63 =	vshll.u32 v3, $0x1  }
0x60: {  	v3 =	vand.u32 $0x7, v3;
	v4 =	vand.u32 $0xFFFFFFF0, v63  }
0x61: {  	v3 =	vor.u32 v3, v4  }
0x62: {  	v4 =	vperm.xlane v3, v0;
	_ =	sdelay $0x1  }
0x63: {  	v3 =	vperm.xlane v3, v2;
	v4 =	vadd.s32 v1, v4;
	_ =	sdelay $0x1  }
0x64: {  	v3 =	vadd.s32 v1, v3;
	_ =	sdelay $0x2  }
0x65: {  	[tilespmem:s22], [sflag:$0x1] =	stream.indirect_vreg.gather [hbm4b:s1+s3], $0x80, v4, vm0, $0xb8;
	[tilespmem:$0x8080] =	vst v63  }
0x66: {  	_ = 	snop  }
0x67: {  	[tilespmem:s23], [sflag:$0x1] =	stream.indirect_vreg.gather [hbm4b:s1+s3], $0x80, v3, vm0, $0xb8;
	[tilespmem:$0x8080] =	vst v63  }
0x68: {  	_ =	swait.ge [sflag:s24], $0x8000  }
0x69: {  	p0 =	sne.s32 s28, $0xF0;
	[sflag:s24] =	ssyncset.done $0x0  }
.Ltmp0:
0x6a: {  	[sflag:s24] =	ssyncadd.s32 $0xFFFF8000;
	(pc) =	sbr.rel @p0 .LBB2_2-.Ltmp0, $4  }
0x6b: {  	[hbm4b:s26+s3] =	stream.linear.scatter [tilespmem:s8], [sflag:$0x2], $0x8000, $0x38;
	[tilespmem:$0x8080] =	vst v63  }
0x6c: {  	_ =	swait.ge [sflag:s7], $0x8000  }
0x6d: {  	[sflag:s7] =	ssyncset.done $0x0  }
0x6e: {  	s28 =	sadd.s32 $0x10, s28;
	s26 =	sadd.s32 $0x1000, s26;
	[sflag:s7] =	ssyncadd.s32 $0xFFFF8000  }
0x6f: {  	s25 =	sadd.s32 $0x1, s25  }
0x70: {  	p0 =	sne.s32 s25, s4  }
.Ltmp1:
0x71: {  	_ = 	snop;
	(pc) =	sbr.rel @p0 .LBB2_1-.Ltmp1, $1  }
0x72: {  	_ =	sdelay $0x3  }
0x73: {  	_ =	sfence.sel $0x180000  }
0x74: {  	[bflag:$0x0] =	sbarrier.arrive $0xFFFF  }
0x75: {  	p0 =	sne.s32 s2, $0x0;
	_ =	strace $0x90000047  }
0x76: {  	s0 =	sadd.s32 @!p0 $0x100000, s0;
	[bflag:$0x2] =	sbarrier.arrive $0xFFFF  }
0x77: {  	[sflag:s0] =	ssyncadd.tile.s32 @!p0 $0x1;
	_ =	shalt  }
.Lfunc_end2:
_tile_overlayer_lowered:
.L_overlay_start_2:
0x78: {  	(tag) =	ssettag $0x2  }
0x79: {  	s0 =	rddreg [dreg:$0x0];
	s2 =	stileid.u32  }
0x7a: {  	s1 =	rddreg [dreg:$0x1];
	p0 =	sne.s32 s2, $0x0  }
0x7b: {  	s3 =	rddreg [dreg:$0x2];
	[bflag:$0x3] =	sbarrier.arrive $0xFFFF;
	s2 =	simm.s32 @!p0 $0x1C02  }
0x7c: {  	[timem:s3], [sflag:s2] =	dma.local @!p0 [hbm:s0], s1  }
0x7d: {  	s0 =	simm.s32 @!p0 $0x2  }
0x7e: {  	_ =	swait.ge @!p0 [sflag:s0], s1  }
0x7f: {  	s1 =	ssub.s32 @!p0 $0x0, s1;
	[sflag:s0] =	ssyncset.done @!p0 $0x0  }
0x80: {  	[sflag:s0] =	ssyncadd.s32 @!p0 s1  }
0x81: {  	[bflag:$0x3] =	sbarrier.arrive $0xFFFF  }
0x82: {  	_ =	shalt  }

</sc_bundles>
